<compile_context>
chip_gen: v7x
topology: tpu7x:2x2x1
jax: 0.10.2.dev20260603
libtpu: 0.0.44.dev20260713+nightly
codegen_flags: <defaults>
</compile_context>

<pallas_src>
import math

import jax
import jax.numpy as jnp
from jax import lax
from jax.experimental import pallas as pl
from jax.experimental.pallas import tpu as pltpu
from jax.experimental.pallas import tpu_sc as plsc

_CUTOFF = 5.0
_LOG2 = math.log(2.0)

_NC, _NS = 2, 16
_NW = _NC * _NS


_LOG2E = 1.4426950408889634


def _ssp(v):
    t = jnp.exp2(jnp.abs(v) * (-_LOG2E))
    return jnp.maximum(v, 0.0) + jnp.log2(1.0 + t) * _LOG2 - _LOG2


def _in2f_body(x_ref, nbh_ref, win_ref, y_ref, nflat_ref):
    b = pl.program_id(0)
    na = x_ref.shape[1]
    y_ref[...] = jnp.dot(x_ref[0], win_ref[...],
                         preferred_element_type=jnp.float32)
    nflat_ref[0] = nbh_ref[0] + b * na


def _in2f(x, neighbors, win):
    nb, na, nab = x.shape
    nnbh = neighbors.shape[2]
    nf = win.shape[1]
    return pl.pallas_call(
        _in2f_body,
        grid=(nb,),
        in_specs=[
            pl.BlockSpec((1, na, nab), lambda b: (b, 0, 0)),
            pl.BlockSpec((1, na, nnbh), lambda b: (b, 0, 0)),
            pl.BlockSpec((nab, nf), lambda b: (0, 0)),
        ],
        out_specs=[
            pl.BlockSpec((na, nf), lambda b: (b, 0)),
            pl.BlockSpec((1, na, nnbh), lambda b: (b, 0, 0)),
        ],
        out_shape=[
            jax.ShapeDtypeStruct((nb * na, nf), jnp.float32),
            jax.ShapeDtypeStruct((nb, na, nnbh), jnp.int32),
        ],
    )(x, neighbors, win)


def _sc_gather(table, idx3):
    nw, nch, ch = idx3.shape
    nf = table.shape[1]
    per_w = nch * ch
    mesh = plsc.VectorSubcoreMesh(core_axis_name="c", subcore_axis_name="s")

    nbuf = 2

    def body(table_ref, idx_ref, out_ref, idx_v, rows_v, *sems):
        wid = lax.axis_index("s") * _NC + lax.axis_index("c")
        pltpu.sync_copy(idx_ref.at[wid], idx_v)
        base = wid * per_w
        gsems = sems

        def gather(c, k):
            pltpu.async_copy(table_ref.at[idx_v.at[c]], rows_v.at[k], gsems[k])

        def wait_gather(c, k):
            pltpu.make_async_copy(
                table_ref.at[idx_v.at[c]], rows_v.at[k], gsems[k]).wait()

        def sync_put(c, k):
            pltpu.sync_copy(rows_v.at[k], out_ref.at[pl.ds(base + c * ch, ch)])

        gather(0, 0)

        def step(c2, carry):
            c0 = c2 * nbuf
            for k in range(nbuf):
                c = c0 + k

                @pl.when(c < nch)
                def _():
                    wait_gather(c, k)

                    @pl.when(c + 1 < nch)
                    def _():
                        gather(c + 1, 1 - k)

                    sync_put(c, k)
            return carry

        lax.fori_loop(0, (nch + nbuf - 1) // nbuf, step, 0)

    return pl.kernel(
        body,
        out_type=jax.ShapeDtypeStruct((nw * per_w, nf), table.dtype),
        mesh=mesh,
        scratch_types=[
            pltpu.VMEM((nch, ch), jnp.int32),
            pltpu.VMEM((nbuf, ch, nf), table.dtype),
        ] + [pltpu.SemaphoreType.DMA] * nbuf,
    )(table, idx3)


def _fused_body(g_ref, f_ref, r_ref, m_ref, w1_ref, b1_ref, w2_ref, b2_ref,
                wf2_ref, bf2_ref, wd_ref, bd_ref, out_ref):
    _, ba, nnbh, ns = f_ref.shape
    nf = w2_ref.shape[-1]
    f2 = f_ref[...].reshape(ba * nnbh, ns)
    h = jnp.dot(f2, w1_ref[...], preferred_element_type=jnp.float32)
    h = _ssp(h + b1_ref[...])
    w = jnp.dot(h, w2_ref[...], preferred_element_type=jnp.float32) + b2_ref[...]
    r = r_ref[0]
    cm = 0.5 * (jnp.cos(r * (math.pi / _CUTOFF)) + 1.0)
    cm = cm * (r < _CUTOFF).astype(jnp.float32) * m_ref[0]
    w3 = w.reshape(ba, nnbh, nf) * cm[:, :, None]
    g3 = g_ref[...].reshape(ba, nnbh, nf)
    s = jnp.sum(w3 * g3, axis=1)
    z = _ssp(jnp.dot(s, wf2_ref[...], preferred_element_type=jnp.float32)
             + bf2_ref[...])
    out_ref[0] = (jnp.dot(z, wd_ref[...], preferred_element_type=jnp.float32)
                  + bd_ref[...])


def _fused(g, f_ij, r_ij, mask, w1, b1, w2, b2, wf2, bf2, wd, bd, ba, b0, nbs):
    nb, na, nnbh, ns = f_ij.shape
    nf = w2.shape[-1]
    nj = na // ba
    full = lambda b, j: (0, 0)
    return pl.pallas_call(
        _fused_body,
        grid=(nbs, nj),
        in_specs=[
            pl.BlockSpec((ba * nnbh, nf), lambda b, j: (b * nj + j, 0)),
            pl.BlockSpec((1, ba, nnbh, ns), lambda b, j: (b + b0, j, 0, 0)),
            pl.BlockSpec((1, ba, nnbh), lambda b, j: (b + b0, j, 0)),
            pl.BlockSpec((1, ba, nnbh), lambda b, j: (b + b0, j, 0)),
            pl.BlockSpec(w1.shape, full),
            pl.BlockSpec(b1.shape, full),
            pl.BlockSpec(w2.shape, full),
            pl.BlockSpec(b2.shape, full),
            pl.BlockSpec(wf2.shape, full),
            pl.BlockSpec(bf2.shape, full),
            pl.BlockSpec(wd.shape, full),
            pl.BlockSpec(bd.shape, full),
        ],
        out_specs=pl.BlockSpec((1, ba, nf), lambda b, j: (b, j, 0)),
        out_shape=jax.ShapeDtypeStruct((nbs, na, nf), jnp.float32),
    )(g, f_ij, r_ij, mask, w1, b1, w2, b2, wf2, bf2, wd, bd)


def kernel(x, r_ij, neighbors, neighbor_mask, f_ij, W1, b1, W2, b2, Win, Wf2,
           bf2, Wd, bd):
    nb, na, nnbh = neighbors.shape
    nf = Win.shape[1]
    nrow = nb * na
    ne = nrow * nnbh

    y2, nflat = _in2f(x, neighbors, Win)

    per_w = ne // _NW
    ch = 80
    nch = per_w // ch
    idx3 = nflat.reshape(_NW, nch, ch)
    g = _sc_gather(y2, idx3)

    ba = 200
    return _fused(
        g, f_ij, r_ij, neighbor_mask,
        W1, b1.reshape(1, nf), W2, b2.reshape(1, nf),
        Wf2, bf2.reshape(1, nf), Wd, bd.reshape(1, nf),
        ba, 0, nb,
    )

# --- scband reference (transcript-rebuilt; emitter-appended) ---
"""Pipeline reference for scband-sch-net-interaction-44332652429577 (READ-ONLY COPY).

The authoritative reference and input builder live on the scoring server;
editing this copy changes nothing except your own understanding.
"""

import jax, jax.numpy as jnp
import numpy as np

CUTOFF = 5.0


def shifted_softplus(x):
    return jax.nn.softplus(x) - jnp.log(2.0)


def cosine_cutoff(r, cutoff=CUTOFF):
    c = 0.5 * (jnp.cos(r * jnp.pi / cutoff) + 1.0)
    return c * (r < cutoff).astype(r.dtype)


def setup_inputs(seed: int = 0) -> dict:
    key = jax.random.key(seed)
    ks = jax.random.split(key, 12)
    Nb, Na, Nnbh = 10, 1000, 32
    n_atom_basis, n_spatial_basis, n_filters = 128, 25, 128
    s = 0.1
    inp = {}
    inp["x"] = jax.random.normal(ks[0], (Nb, Na, n_atom_basis), dtype=jnp.float32)
    inp["r_ij"] = jax.random.uniform(ks[1], (Nb, Na, Nnbh), dtype=jnp.float32) * CUTOFF
    inp["neighbors"] = jax.random.randint(ks[2], (Nb, Na, Nnbh), 0, Na, dtype=jnp.int32)
    inp["neighbor_mask"] = jnp.ones((Nb, Na, Nnbh), dtype=jnp.float32)
    inp["f_ij"] = jax.random.uniform(ks[3], (Nb, Na, Nnbh, n_spatial_basis), dtype=jnp.float32)
    # filter_network: Dense(n_spatial_basis->n_filters, ssp) then Dense(n_filters->n_filters)
    inp["W1"] = jax.random.normal(ks[4], (n_spatial_basis, n_filters), dtype=jnp.float32) * s
    inp["b1"] = jnp.zeros((n_filters,), dtype=jnp.float32)
    inp["W2"] = jax.random.normal(ks[5], (n_filters, n_filters), dtype=jnp.float32) * s
    inp["b2"] = jnp.zeros((n_filters,), dtype=jnp.float32)
    # cfconv.in2f: Dense(n_atom_basis->n_filters, bias=False, no activation)
    inp["Win"] = jax.random.normal(ks[6], (n_atom_basis, n_filters), dtype=jnp.float32) * s
    # cfconv.f2out: Dense(n_filters->n_atom_basis, bias=True, activation=ssp)
    inp["Wf2"] = jax.random.normal(ks[7], (n_filters, n_atom_basis), dtype=jnp.float32) * s
    inp["bf2"] = jnp.zeros((n_atom_basis,), dtype=jnp.float32)
    # final dense: Dense(n_atom_basis->n_atom_basis, bias=True, no activation)
    inp["Wd"] = jax.random.normal(ks[8], (n_atom_basis, n_atom_basis), dtype=jnp.float32) * s
    inp["bd"] = jnp.zeros((n_atom_basis,), dtype=jnp.float32)
    return inp


def reference(x, r_ij, neighbors, neighbor_mask, f_ij, W1, b1, W2, b2, Win, Wf2, bf2, Wd, bd):
    # filter-generating network on expanded distances
    W = shifted_softplus(f_ij @ W1 + b1) @ W2 + b2  # (Nb, Na, Nnbh, n_filters)
    # cosine cutoff modulation
    C = cosine_cutoff(r_ij)
    W = W * C[..., None]
    # in2f dense (no bias)
    y = x @ Win  # (Nb, Na, n_filters)
    Nb, Na, Nnbh = neighbors.shape
    F = y.shape[-1]
    # gather neighbor features
    nbh = neighbors.reshape(Nb, Na * Nnbh)
    idx = jnp.broadcast_to(nbh[:, :, None], (Nb, Na * Nnbh, F))
    y = jnp.take_along_axis(y, idx, axis=1)
    y = y.reshape(Nb, Na, Nnbh, F)
    # continuous-filter convolution + masked sum aggregation over neighbors
    y = y * W
    y = jnp.sum(y * neighbor_mask[..., None], axis=2)  # (Nb, Na, F)
    # f2out dense with shifted softplus activation
    y = shifted_softplus(y @ Wf2 + bf2)
    # final output dense
    v = y @ Wd + bd
    return v

if __name__ == "__main__":
    import jax
    _d = setup_inputs()
    print(jax.jit(kernel)(*tuple(_d.values())))

</pallas_src>

<mosaic_0001>
#map = affine_map<(d0, d1) -> (0, 0)>
#map1 = affine_map<(d0, d1) -> (0, 0, 0)>
module attributes {stable_mosaic.version = 14 : i64} {
  func.func @body(%arg0: i32, %arg1: i32, %arg2: memref<10000x128xf32, #tpu.memory_space<hbm>>, %arg3: memref<32x125x80xi32, #tpu.memory_space<hbm>>, %arg4: memref<320000x128xf32, #tpu.memory_space<hbm>>, %arg5: memref<125x80xi32, #tpu.memory_space<vmem>>, %arg6: memref<2x80x128xf32, #tpu.memory_space<vmem>>, %arg7: memref<!tpu.dma_semaphore, #tpu.memory_space<semaphore_mem>>, %arg8: memref<!tpu.dma_semaphore, #tpu.memory_space<semaphore_mem>>) attributes {dimension_semantics = [#tpu.dimension_semantics<core_parallel>, #tpu.dimension_semantics<subcore_parallel>], iteration_bounds = array<i64: 2, 16>, scalar_prefetch = 0 : i64, scratch_operands = 4 : i64, tpu.core_type = #tpu.core_type<sc_vector_subcore>, window_params = [{transform_indices = #map}, {transform_indices = #map1}, {transform_indices = #map}]} {
    %mul3A = arith.constant 2 : i32
    %mul3A_0 = arith.muli %arg1, %mul3A : i32
    %add3A = arith.addi %mul3A_0, %arg0 : i32
    "tpu.region"() ({
      %run_scoped3A = tpu.sem_alloc : memref<!tpu.dma_semaphore, #tpu.memory_space<semaphore_mem>>
      %dma_start3A_19 = arith.constant 0 : i32
      %dma_start3A_20 = arith.constant 0 : i32
      %dma_start3A_21 = tpu.memref_slice %arg3[%add3A, %dma_start3A_19, %dma_start3A_20] : memref<32x125x80xi32, #tpu.memory_space<hbm>> -> memref<1x125x80xi32, #tpu.memory_space<hbm>>
      %dma_start3A_22 = tpu.memref_squeeze %dma_start3A_21 : memref<1x125x80xi32, #tpu.memory_space<hbm>> -> memref<125x80xi32, #tpu.memory_space<hbm>>
      %dma_start3A_23 = arith.constant 0 : i32
      %dma_start3A_24 = arith.constant 0 : i32
      %dma_start3A_25 = tpu.memref_slice %arg3[%add3A, %dma_start3A_23, %dma_start3A_24] : memref<32x125x80xi32, #tpu.memory_space<hbm>> -> memref<1x125x80xi32, #tpu.memory_space<hbm>>
      %dma_start3A_26 = tpu.memref_squeeze %dma_start3A_25 : memref<1x125x80xi32, #tpu.memory_space<hbm>> -> memref<125x80xi32, #tpu.memory_space<hbm>>
      tpu.enqueue_dma source(%dma_start3A_26 : memref<125x80xi32, #tpu.memory_space<hbm>>) target(%arg5 : memref<125x80xi32, #tpu.memory_space<vmem>>) target_semaphore(%run_scoped3A : memref<!tpu.dma_semaphore, #tpu.memory_space<semaphore_mem>>)
      %dma_wait3A = arith.constant 0 : i32
      %dma_wait3A_27 = arith.constant 0 : i32
      %dma_wait3A_28 = tpu.memref_slice %arg3[%add3A, %dma_wait3A, %dma_wait3A_27] : memref<32x125x80xi32, #tpu.memory_space<hbm>> -> memref<1x125x80xi32, #tpu.memory_space<hbm>>
      %dma_wait3A_29 = tpu.memref_squeeze %dma_wait3A_28 : memref<1x125x80xi32, #tpu.memory_space<hbm>> -> memref<125x80xi32, #tpu.memory_space<hbm>>
      %dma_wait3A_30 = arith.constant 0 : i32
      %dma_wait3A_31 = arith.constant 0 : i32
      %dma_wait3A_32 = tpu.memref_slice %arg3[%add3A, %dma_wait3A_30, %dma_wait3A_31] : memref<32x125x80xi32, #tpu.memory_space<hbm>> -> memref<1x125x80xi32, #tpu.memory_space<hbm>>
      %dma_wait3A_33 = tpu.memref_squeeze %dma_wait3A_32 : memref<1x125x80xi32, #tpu.memory_space<hbm>> -> memref<125x80xi32, #tpu.memory_space<hbm>>
      tpu.wait_dma2 semaphore(%run_scoped3A : memref<!tpu.dma_semaphore, #tpu.memory_space<semaphore_mem>>) src(%dma_wait3A_33 : memref<125x80xi32, #tpu.memory_space<hbm>>) dst(%arg5 : memref<125x80xi32, #tpu.memory_space<vmem>>)
      tpu.yield
    }) : () -> ()
    %mul3A_1 = arith.constant 10000 : i32
    %mul3A_2 = arith.muli %add3A, %mul3A_1 : i32
    %dma_start3A = arith.constant 0 : i32
    %dma_start3A_3 = arith.constant 0 : i32
    %dma_start3A_4 = arith.constant 0 : i32
    %dma_start3A_5 = arith.constant 0 : i32
    %dma_start3A_6 = tpu.memref_slice %arg6[%dma_start3A_3, %dma_start3A_4, %dma_start3A_5] : memref<2x80x128xf32, #tpu.memory_space<vmem>> -> memref<1x80x128xf32, #tpu.memory_space<vmem>>
    %dma_start3A_7 = tpu.memref_squeeze %dma_start3A_6 : memref<1x80x128xf32, #tpu.memory_space<vmem>> -> memref<80x128xf32, #tpu.memory_space<vmem>>
    %dma_start3A_8 = arith.constant 0 : i32
    %dma_start3A_9 = tpu.memref_slice %arg5[%dma_start3A, %dma_start3A_8] : memref<125x80xi32, #tpu.memory_space<vmem>> -> memref<1x80xi32, #tpu.memory_space<vmem>>
    %dma_start3A_10 = tpu.memref_squeeze %dma_start3A_9 : memref<1x80xi32, #tpu.memory_space<vmem>> -> memref<80xi32, #tpu.memory_space<vmem>>
    %dma_start3A_11 = arith.constant 0 : i32
    %dma_start3A_12 = arith.constant 0 : i32
    %dma_start3A_13 = tpu.memref_slice %arg2[%dma_start3A_11, %dma_start3A_12] : memref<10000x128xf32, #tpu.memory_space<hbm>> -> memref<10000x128xf32, #tpu.memory_space<hbm>>
    tpu.enqueue_indirect_dma source(%dma_start3A_13 : memref<10000x128xf32, #tpu.memory_space<hbm>>) target(%dma_start3A_7 : memref<80x128xf32, #tpu.memory_space<vmem>>) offsets(%dma_start3A_10 : memref<80xi32, #tpu.memory_space<vmem>>) semaphore(%arg7 : memref<!tpu.dma_semaphore, #tpu.memory_space<semaphore_mem>>)
    %scan3A = arith.constant 0 : i32
    %scan3A_14 = arith.constant 0 : i32
    %scan3A_15 = arith.constant 63 : i32
    %scan3A_16 = arith.addi %scan3A_14, %scan3A_15 : i32
    %scan3A_17 = arith.constant 1 : i32
    scf.for %scan3A_19 = %scan3A_14 to %scan3A_16 step %scan3A_17  : i32 {
      %mul3A_20 = arith.constant 2 : i32
      %mul3A_21 = arith.muli %scan3A_19, %mul3A_20 : i32
      %add3A_22 = arith.constant 0 : i32
      %add3A_23 = arith.addi %mul3A_21, %add3A_22 : i32
      %lt3A = arith.constant 125 : i32
      %lt3A_24 = arith.cmpi slt, %add3A_23, %lt3A : i32
      %convert_element_type3A = arith.extui %lt3A_24 : i1 to i32
      %cond3A = arith.constant 0 : i32
      %cond3A_25 = arith.cmpi ne, %convert_element_type3A, %cond3A : i32
      scf.if %cond3A_25 {
        %dma_wait3A = arith.constant 0 : i32
        %dma_wait3A_33 = arith.constant 0 : i32
        %dma_wait3A_34 = arith.constant 0 : i32
        %dma_wait3A_35 = tpu.memref_slice %arg6[%dma_wait3A, %dma_wait3A_33, %dma_wait3A_34] : memref<2x80x128xf32, #tpu.memory_space<vmem>> -> memref<1x80x128xf32, #tpu.memory_space<vmem>>
        %dma_wait3A_36 = tpu.memref_squeeze %dma_wait3A_35 : memref<1x80x128xf32, #tpu.memory_space<vmem>> -> memref<80x128xf32, #tpu.memory_space<vmem>>
        %dma_wait3A_37 = arith.constant 0 : i32
        %dma_wait3A_38 = tpu.memref_slice %arg5[%add3A_23, %dma_wait3A_37] : memref<125x80xi32, #tpu.memory_space<vmem>> -> memref<1x80xi32, #tpu.memory_space<vmem>>
        %dma_wait3A_39 = tpu.memref_squeeze %dma_wait3A_38 : memref<1x80xi32, #tpu.memory_space<vmem>> -> memref<80xi32, #tpu.memory_space<vmem>>
        %dma_wait3A_40 = arith.constant 0 : i32
        %dma_wait3A_41 = arith.constant 0 : i32
        %dma_wait3A_42 = tpu.memref_slice %arg2[%dma_wait3A_40, %dma_wait3A_41] : memref<10000x128xf32, #tpu.memory_space<hbm>> -> memref<10000x128xf32, #tpu.memory_space<hbm>>
        tpu.wait_indirect_dma semaphore(%arg7 : memref<!tpu.dma_semaphore, #tpu.memory_space<semaphore_mem>>) src(%dma_wait3A_42 : memref<10000x128xf32, #tpu.memory_space<hbm>>) dst(%dma_wait3A_36 : memref<80x128xf32, #tpu.memory_space<vmem>>)
        %add3A_43 = arith.constant 1 : i32
        %add3A_44 = arith.addi %add3A_23, %add3A_43 : i32
        %lt3A_45 = arith.constant 125 : i32
        %lt3A_46 = arith.cmpi slt, %add3A_44, %lt3A_45 : i32
        %convert_element_type3A_47 = arith.extui %lt3A_46 : i1 to i32
        %cond3A_48 = arith.constant 0 : i32
        %cond3A_49 = arith.cmpi ne, %convert_element_type3A_47, %cond3A_48 : i32
        scf.if %cond3A_49 {
          %add3A_53 = arith.constant 1 : i32
          %add3A_54 = arith.addi %add3A_23, %add3A_53 : i32
          %dma_start3A_55 = arith.constant 1 : i32
          %dma_start3A_56 = arith.constant 0 : i32
          %dma_start3A_57 = arith.constant 0 : i32
          %dma_start3A_58 = tpu.memref_slice %arg6[%dma_start3A_55, %dma_start3A_56, %dma_start3A_57] : memref<2x80x128xf32, #tpu.memory_space<vmem>> -> memref<1x80x128xf32, #tpu.memory_space<vmem>>
          %dma_start3A_59 = tpu.memref_squeeze %dma_start3A_58 : memref<1x80x128xf32, #tpu.memory_space<vmem>> -> memref<80x128xf32, #tpu.memory_space<vmem>>
          %dma_start3A_60 = arith.constant 0 : i32
          %dma_start3A_61 = tpu.memref_slice %arg5[%add3A_54, %dma_start3A_60] : memref<125x80xi32, #tpu.memory_space<vmem>> -> memref<1x80xi32, #tpu.memory_space<vmem>>
          %dma_start3A_62 = tpu.memref_squeeze %dma_start3A_61 : memref<1x80xi32, #tpu.memory_space<vmem>> -> memref<80xi32, #tpu.memory_space<vmem>>
          %dma_start3A_63 = arith.constant 0 : i32
          %dma_start3A_64 = arith.constant 0 : i32
          %dma_start3A_65 = tpu.memref_slice %arg2[%dma_start3A_63, %dma_start3A_64] : memref<10000x128xf32, #tpu.memory_space<hbm>> -> memref<10000x128xf32, #tpu.memory_space<hbm>>
          tpu.enqueue_indirect_dma source(%dma_start3A_65 : memref<10000x128xf32, #tpu.memory_space<hbm>>) target(%dma_start3A_59 : memref<80x128xf32, #tpu.memory_space<vmem>>) offsets(%dma_start3A_62 : memref<80xi32, #tpu.memory_space<vmem>>) semaphore(%arg8 : memref<!tpu.dma_semaphore, #tpu.memory_space<semaphore_mem>>)
        } else {
        }
        %mul3A_50 = arith.constant 80 : i32
        %mul3A_51 = arith.muli %add3A_23, %mul3A_50 : i32
        %add3A_52 = arith.addi %mul3A_2, %mul3A_51 : i32
        %run_scoped3A = arith.constant 0 : i32
        "tpu.region"() ({
          %run_scoped3A_53 = tpu.sem_alloc : memref<!tpu.dma_semaphore, #tpu.memory_space<semaphore_mem>>
          %dma_start3A_54 = arith.constant 0 : i32
          %dma_start3A_55 = arith.constant 0 : i32
          %dma_start3A_56 = tpu.memref_slice %arg6[%run_scoped3A, %dma_start3A_54, %dma_start3A_55] : memref<2x80x128xf32, #tpu.memory_space<vmem>> -> memref<1x80x128xf32, #tpu.memory_space<vmem>>
          %dma_start3A_57 = tpu.memref_squeeze %dma_start3A_56 : memref<1x80x128xf32, #tpu.memory_space<vmem>> -> memref<80x128xf32, #tpu.memory_space<vmem>>
          %dma_start3A_58 = arith.constant 0 : i32
          %dma_start3A_59 = tpu.memref_slice %arg4[%add3A_52, %dma_start3A_58] : memref<320000x128xf32, #tpu.memory_space<hbm>> -> memref<80x128xf32, #tpu.memory_space<hbm>>
          %dma_start3A_60 = arith.constant 0 : i32
          %dma_start3A_61 = tpu.memref_slice %arg4[%add3A_52, %dma_start3A_60] : memref<320000x128xf32, #tpu.memory_space<hbm>> -> memref<80x128xf32, #tpu.memory_space<hbm>>
          %dma_start3A_62 = arith.constant 0 : i32
          %dma_start3A_63 = arith.constant 0 : i32
          %dma_start3A_64 = tpu.memref_slice %arg6[%run_scoped3A, %dma_start3A_62, %dma_start3A_63] : memref<2x80x128xf32, #tpu.memory_space<vmem>> -> memref<1x80x128xf32, #tpu.memory_space<vmem>>
          %dma_start3A_65 = tpu.memref_squeeze %dma_start3A_64 : memref<1x80x128xf32, #tpu.memory_space<vmem>> -> memref<80x128xf32, #tpu.memory_space<vmem>>
          tpu.enqueue_dma source(%dma_start3A_65 : memref<80x128xf32, #tpu.memory_space<vmem>>) target(%dma_start3A_61 : memref<80x128xf32, #tpu.memory_space<hbm>>) target_semaphore(%run_scoped3A_53 : memref<!tpu.dma_semaphore, #tpu.memory_space<semaphore_mem>>)
          %dma_wait3A_66 = arith.constant 0 : i32
          %dma_wait3A_67 = arith.constant 0 : i32
          %dma_wait3A_68 = tpu.memref_slice %arg6[%run_scoped3A, %dma_wait3A_66, %dma_wait3A_67] : memref<2x80x128xf32, #tpu.memory_space<vmem>> -> memref<1x80x128xf32, #tpu.memory_space<vmem>>
          %dma_wait3A_69 = tpu.memref_squeeze %dma_wait3A_68 : memref<1x80x128xf32, #tpu.memory_space<vmem>> -> memref<80x128xf32, #tpu.memory_space<vmem>>
          %dma_wait3A_70 = arith.constant 0 : i32
          %dma_wait3A_71 = tpu.memref_slice %arg4[%add3A_52, %dma_wait3A_70] : memref<320000x128xf32, #tpu.memory_space<hbm>> -> memref<80x128xf32, #tpu.memory_space<hbm>>
          %dma_wait3A_72 = arith.constant 0 : i32
          %dma_wait3A_73 = tpu.memref_slice %arg4[%add3A_52, %dma_wait3A_72] : memref<320000x128xf32, #tpu.memory_space<hbm>> -> memref<80x128xf32, #tpu.memory_space<hbm>>
          %dma_wait3A_74 = arith.constant 0 : i32
          %dma_wait3A_75 = arith.constant 0 : i32
          %dma_wait3A_76 = tpu.memref_slice %arg6[%run_scoped3A, %dma_wait3A_74, %dma_wait3A_75] : memref<2x80x128xf32, #tpu.memory_space<vmem>> -> memref<1x80x128xf32, #tpu.memory_space<vmem>>
          %dma_wait3A_77 = tpu.memref_squeeze %dma_wait3A_76 : memref<1x80x128xf32, #tpu.memory_space<vmem>> -> memref<80x128xf32, #tpu.memory_space<vmem>>
          tpu.wait_dma2 semaphore(%run_scoped3A_53 : memref<!tpu.dma_semaphore, #tpu.memory_space<semaphore_mem>>) src(%dma_wait3A_77 : memref<80x128xf32, #tpu.memory_space<vmem>>) dst(%dma_wait3A_73 : memref<80x128xf32, #tpu.memory_space<hbm>>)
          tpu.yield
        }) : () -> ()
      } else {
      }
      %add3A_26 = arith.constant 1 : i32
      %add3A_27 = arith.addi %mul3A_21, %add3A_26 : i32
      %lt3A_28 = arith.constant 125 : i32
      %lt3A_29 = arith.cmpi slt, %add3A_27, %lt3A_28 : i32
      %convert_element_type3A_30 = arith.extui %lt3A_29 : i1 to i32
      %cond3A_31 = arith.constant 0 : i32
      %cond3A_32 = arith.cmpi ne, %convert_element_type3A_30, %cond3A_31 : i32
      scf.if %cond3A_32 {
        %dma_wait3A = arith.constant 1 : i32
        %dma_wait3A_33 = arith.constant 0 : i32
        %dma_wait3A_34 = arith.constant 0 : i32
        %dma_wait3A_35 = tpu.memref_slice %arg6[%dma_wait3A, %dma_wait3A_33, %dma_wait3A_34] : memref<2x80x128xf32, #tpu.memory_space<vmem>> -> memref<1x80x128xf32, #tpu.memory_space<vmem>>
        %dma_wait3A_36 = tpu.memref_squeeze %dma_wait3A_35 : memref<1x80x128xf32, #tpu.memory_space<vmem>> -> memref<80x128xf32, #tpu.memory_space<vmem>>
        %dma_wait3A_37 = arith.constant 0 : i32
        %dma_wait3A_38 = tpu.memref_slice %arg5[%add3A_27, %dma_wait3A_37] : memref<125x80xi32, #tpu.memory_space<vmem>> -> memref<1x80xi32, #tpu.memory_space<vmem>>
        %dma_wait3A_39 = tpu.memref_squeeze %dma_wait3A_38 : memref<1x80xi32, #tpu.memory_space<vmem>> -> memref<80xi32, #tpu.memory_space<vmem>>
        %dma_wait3A_40 = arith.constant 0 : i32
        %dma_wait3A_41 = arith.constant 0 : i32
        %dma_wait3A_42 = tpu.memref_slice %arg2[%dma_wait3A_40, %dma_wait3A_41] : memref<10000x128xf32, #tpu.memory_space<hbm>> -> memref<10000x128xf32, #tpu.memory_space<hbm>>
        tpu.wait_indirect_dma semaphore(%arg8 : memref<!tpu.dma_semaphore, #tpu.memory_space<semaphore_mem>>) src(%dma_wait3A_42 : memref<10000x128xf32, #tpu.memory_space<hbm>>) dst(%dma_wait3A_36 : memref<80x128xf32, #tpu.memory_space<vmem>>)
        %add3A_43 = arith.constant 1 : i32
        %add3A_44 = arith.addi %add3A_27, %add3A_43 : i32
        %lt3A_45 = arith.constant 125 : i32
        %lt3A_46 = arith.cmpi slt, %add3A_44, %lt3A_45 : i32
        %convert_element_type3A_47 = arith.extui %lt3A_46 : i1 to i32
        %cond3A_48 = arith.constant 0 : i32
        %cond3A_49 = arith.cmpi ne, %convert_element_type3A_47, %cond3A_48 : i32
        scf.if %cond3A_49 {
          %add3A_53 = arith.constant 1 : i32
          %add3A_54 = arith.addi %add3A_27, %add3A_53 : i32
          %dma_start3A_55 = arith.constant 0 : i32
          %dma_start3A_56 = arith.constant 0 : i32
          %dma_start3A_57 = arith.constant 0 : i32
          %dma_start3A_58 = tpu.memref_slice %arg6[%dma_start3A_55, %dma_start3A_56, %dma_start3A_57] : memref<2x80x128xf32, #tpu.memory_space<vmem>> -> memref<1x80x128xf32, #tpu.memory_space<vmem>>
          %dma_start3A_59 = tpu.memref_squeeze %dma_start3A_58 : memref<1x80x128xf32, #tpu.memory_space<vmem>> -> memref<80x128xf32, #tpu.memory_space<vmem>>
          %dma_start3A_60 = arith.constant 0 : i32
          %dma_start3A_61 = tpu.memref_slice %arg5[%add3A_54, %dma_start3A_60] : memref<125x80xi32, #tpu.memory_space<vmem>> -> memref<1x80xi32, #tpu.memory_space<vmem>>
          %dma_start3A_62 = tpu.memref_squeeze %dma_start3A_61 : memref<1x80xi32, #tpu.memory_space<vmem>> -> memref<80xi32, #tpu.memory_space<vmem>>
          %dma_start3A_63 = arith.constant 0 : i32
          %dma_start3A_64 = arith.constant 0 : i32
          %dma_start3A_65 = tpu.memref_slice %arg2[%dma_start3A_63, %dma_start3A_64] : memref<10000x128xf32, #tpu.memory_space<hbm>> -> memref<10000x128xf32, #tpu.memory_space<hbm>>
          tpu.enqueue_indirect_dma source(%dma_start3A_65 : memref<10000x128xf32, #tpu.memory_space<hbm>>) target(%dma_start3A_59 : memref<80x128xf32, #tpu.memory_space<vmem>>) offsets(%dma_start3A_62 : memref<80xi32, #tpu.memory_space<vmem>>) semaphore(%arg7 : memref<!tpu.dma_semaphore, #tpu.memory_space<semaphore_mem>>)
        } else {
        }
        %mul3A_50 = arith.constant 80 : i32
        %mul3A_51 = arith.muli %add3A_27, %mul3A_50 : i32
        %add3A_52 = arith.addi %mul3A_2, %mul3A_51 : i32
        %run_scoped3A = arith.constant 1 : i32
        "tpu.region"() ({
          %run_scoped3A_53 = tpu.sem_alloc : memref<!tpu.dma_semaphore, #tpu.memory_space<semaphore_mem>>
          %dma_start3A_54 = arith.constant 0 : i32
          %dma_start3A_55 = arith.constant 0 : i32
          %dma_start3A_56 = tpu.memref_slice %arg6[%run_scoped3A, %dma_start3A_54, %dma_start3A_55] : memref<2x80x128xf32, #tpu.memory_space<vmem>> -> memref<1x80x128xf32, #tpu.memory_space<vmem>>
          %dma_start3A_57 = tpu.memref_squeeze %dma_start3A_56 : memref<1x80x128xf32, #tpu.memory_space<vmem>> -> memref<80x128xf32, #tpu.memory_space<vmem>>
          %dma_start3A_58 = arith.constant 0 : i32
          %dma_start3A_59 = tpu.memref_slice %arg4[%add3A_52, %dma_start3A_58] : memref<320000x128xf32, #tpu.memory_space<hbm>> -> memref<80x128xf32, #tpu.memory_space<hbm>>
          %dma_start3A_60 = arith.constant 0 : i32
          %dma_start3A_61 = tpu.memref_slice %arg4[%add3A_52, %dma_start3A_60] : memref<320000x128xf32, #tpu.memory_space<hbm>> -> memref<80x128xf32, #tpu.memory_space<hbm>>
          %dma_start3A_62 = arith.constant 0 : i32
          %dma_start3A_63 = arith.constant 0 : i32
          %dma_start3A_64 = tpu.memref_slice %arg6[%run_scoped3A, %dma_start3A_62, %dma_start3A_63] : memref<2x80x128xf32, #tpu.memory_space<vmem>> -> memref<1x80x128xf32, #tpu.memory_space<vmem>>
          %dma_start3A_65 = tpu.memref_squeeze %dma_start3A_64 : memref<1x80x128xf32, #tpu.memory_space<vmem>> -> memref<80x128xf32, #tpu.memory_space<vmem>>
          tpu.enqueue_dma source(%dma_start3A_65 : memref<80x128xf32, #tpu.memory_space<vmem>>) target(%dma_start3A_61 : memref<80x128xf32, #tpu.memory_space<hbm>>) target_semaphore(%run_scoped3A_53 : memref<!tpu.dma_semaphore, #tpu.memory_space<semaphore_mem>>)
          %dma_wait3A_66 = arith.constant 0 : i32
          %dma_wait3A_67 = arith.constant 0 : i32
          %dma_wait3A_68 = tpu.memref_slice %arg6[%run_scoped3A, %dma_wait3A_66, %dma_wait3A_67] : memref<2x80x128xf32, #tpu.memory_space<vmem>> -> memref<1x80x128xf32, #tpu.memory_space<vmem>>
          %dma_wait3A_69 = tpu.memref_squeeze %dma_wait3A_68 : memref<1x80x128xf32, #tpu.memory_space<vmem>> -> memref<80x128xf32, #tpu.memory_space<vmem>>
          %dma_wait3A_70 = arith.constant 0 : i32
          %dma_wait3A_71 = tpu.memref_slice %arg4[%add3A_52, %dma_wait3A_70] : memref<320000x128xf32, #tpu.memory_space<hbm>> -> memref<80x128xf32, #tpu.memory_space<hbm>>
          %dma_wait3A_72 = arith.constant 0 : i32
          %dma_wait3A_73 = tpu.memref_slice %arg4[%add3A_52, %dma_wait3A_72] : memref<320000x128xf32, #tpu.memory_space<hbm>> -> memref<80x128xf32, #tpu.memory_space<hbm>>
          %dma_wait3A_74 = arith.constant 0 : i32
          %dma_wait3A_75 = arith.constant 0 : i32
          %dma_wait3A_76 = tpu.memref_slice %arg6[%run_scoped3A, %dma_wait3A_74, %dma_wait3A_75] : memref<2x80x128xf32, #tpu.memory_space<vmem>> -> memref<1x80x128xf32, #tpu.memory_space<vmem>>
          %dma_wait3A_77 = tpu.memref_squeeze %dma_wait3A_76 : memref<1x80x128xf32, #tpu.memory_space<vmem>> -> memref<80x128xf32, #tpu.memory_space<vmem>>
          tpu.wait_dma2 semaphore(%run_scoped3A_53 : memref<!tpu.dma_semaphore, #tpu.memory_space<semaphore_mem>>) src(%dma_wait3A_77 : memref<80x128xf32, #tpu.memory_space<vmem>>) dst(%dma_wait3A_73 : memref<80x128xf32, #tpu.memory_space<hbm>>)
          tpu.yield
        }) : () -> ()
      } else {
      }
    }
    %scan3A_18 = arith.constant 63 : i32
    return
  }
}

module attributes {stable_mosaic.version = 14 : i64} {
  func.func @_in2f_body(%arg0: i32, %arg1: memref<1x1000x128xf32, #tpu.memory_space<vmem>>, %arg2: memref<1x1000x32xi32, #tpu.memory_space<vmem>>, %arg3: memref<128x128xf32, #tpu.memory_space<vmem>>, %arg4: memref<1000x128xf32, #tpu.memory_space<vmem>>, %arg5: memref<1x1000x32xi32, #tpu.memory_space<vmem>>) attributes {dimension_semantics = [#tpu.dimension_semantics<arbitrary>], iteration_bounds = array<i64: 10>, scalar_prefetch = 0 : i64, scratch_operands = 0 : i64, tpu.core_type = #tpu.core_type<tc>, window_params = [{transform_indices = @transform_0, window_bounds = array<i64: 1, 1000, 128>}, {transform_indices = @transform_1, window_bounds = array<i64: 1, 1000, 32>}, {pipeline_mode = #tpu.pipeline_mode<synchronous>, transform_indices = @transform_2, window_bounds = array<i64: 128, 128>}, {transform_indices = @transform_3, window_bounds = array<i64: 1000, 128>}, {transform_indices = @transform_4, window_bounds = array<i64: 1, 1000, 32>}]} {
    %get3A = arith.constant 0 : index
    %get3A_0 = arith.constant 0 : index
    %get3A_1 = arith.constant 0 : index
    %get3A_2 = vector.load %arg1[%get3A, %get3A_0, %get3A_1] : memref<1x1000x128xf32, #tpu.memory_space<vmem>>, vector<1x1000x128xf32>
    %get3A_3 = vector.shape_cast %get3A_2 : vector<1x1000x128xf32> to vector<1000x128xf32>
    %get3A_4 = arith.constant 0 : index
    %get3A_5 = arith.constant 0 : index
    %get3A_6 = vector.load %arg3[%get3A_4, %get3A_5] : memref<128x128xf32, #tpu.memory_space<vmem>>, vector<128x128xf32>
    %dot_general3A = arith.constant dense<0.000000e+00> : vector<1000x128xf32>
    %dot_general3A_7 = tpu.matmul %get3A_3, %get3A_6, %dot_general3A {dimension_numbers = #tpu.dot_dimension_numbers<[1], [0], [0], [1], [0, 0, 1, 1], [], []>, transpose_lhs_hint = false} : vector<1000x128xf32>, vector<128x128xf32>, vector<1000x128xf32> -> vector<1000x128xf32>
    %swap3A = arith.constant 0 : index
    %swap3A_8 = arith.constant 0 : index
    %swap3A_9 = vector.load %arg4[%swap3A, %swap3A_8] : memref<1000x128xf32, #tpu.memory_space<vmem>>, vector<1000x128xf32>
    tpu.vector_store %arg4[%swap3A, %swap3A_8], %dot_general3A_7 {strides = array<i32>} : memref<1000x128xf32, #tpu.memory_space<vmem>>, vector<1000x128xf32>,
    %get3A_10 = arith.constant 0 : index
    %get3A_11 = arith.constant 0 : index
    %get3A_12 = arith.constant 0 : index
    %get3A_13 = vector.load %arg2[%get3A_10, %get3A_11, %get3A_12] : memref<1x1000x32xi32, #tpu.memory_space<vmem>>, vector<1x1000x32xi32>
    %get3A_14 = vector.shape_cast %get3A_13 : vector<1x1000x32xi32> to vector<1000x32xi32>
    %mul3A = arith.constant 1000 : i32
    %mul3A_15 = arith.muli %arg0, %mul3A : i32
    %add3A = vector.broadcast %mul3A_15 : i32 to vector<1000x32xi32>
    %add3A_16 = arith.addi %get3A_14, %add3A : vector<1000x32xi32>
    %swap3A_17 = arith.constant 0 : index
    %swap3A_18 = arith.constant 0 : index
    %swap3A_19 = arith.constant 0 : index
    %swap3A_20 = vector.load %arg5[%swap3A_17, %swap3A_18, %swap3A_19] : memref<1x1000x32xi32, #tpu.memory_space<vmem>>, vector<1x1000x32xi32>
    %swap3A_21 = vector.shape_cast %swap3A_20 : vector<1x1000x32xi32> to vector<1000x32xi32>
    %swap3A_22 = vector.shape_cast %add3A_16 : vector<1000x32xi32> to vector<1x1000x32xi32>
    tpu.vector_store %arg5[%swap3A_17, %swap3A_18, %swap3A_19], %swap3A_22 {strides = array<i32>} : memref<1x1000x32xi32, #tpu.memory_space<vmem>>, vector<1x1000x32xi32>,
    return
  }
  func.func @transform_0(%arg0: i32) -> (i32, i32, i32) {
    %c0_i32 = arith.constant 0 : i32
    %c0_i32_0 = arith.constant 0 : i32
    %c0_i32_1 = arith.constant 0 : i32
    return %arg0, %c0_i32, %c0_i32_0 : i32, i32, i32
  }
  func.func @transform_1(%arg0: i32) -> (i32, i32, i32) {
    %c0_i32 = arith.constant 0 : i32
    %c0_i32_0 = arith.constant 0 : i32
    %c0_i32_1 = arith.constant 0 : i32
    return %arg0, %c0_i32, %c0_i32_0 : i32, i32, i32
  }
  func.func @transform_2(%arg0: i32) -> (i32, i32) {
    %c0_i32 = arith.constant 0 : i32
    %c0_i32_0 = arith.constant 0 : i32
    %c0_i32_1 = arith.constant 0 : i32
    return %c0_i32, %c0_i32_0 : i32, i32
  }
  func.func @transform_3(%arg0: i32) -> (i32, i32) {
    %c0_i32 = arith.constant 0 : i32
    %c0_i32_0 = arith.constant 0 : i32
    return %arg0, %c0_i32 : i32, i32
  }
  func.func @transform_4(%arg0: i32) -> (i32, i32, i32) {
    %c0_i32 = arith.constant 0 : i32
    %c0_i32_0 = arith.constant 0 : i32
    %c0_i32_1 = arith.constant 0 : i32
    return %arg0, %c0_i32, %c0_i32_0 : i32, i32, i32
  }
}

module attributes {stable_mosaic.version = 14 : i64} {
  func.func @_fused_body(%arg0: i32, %arg1: i32, %arg2: memref<6400x128xf32, #tpu.memory_space<vmem>>, %arg3: memref<1x200x32x25xf32, #tpu.memory_space<vmem>>, %arg4: memref<1x200x32xf32, #tpu.memory_space<vmem>>, %arg5: memref<1x200x32xf32, #tpu.memory_space<vmem>>, %arg6: memref<25x128xf32, #tpu.memory_space<vmem>>, %arg7: memref<1x128xf32, #tpu.memory_space<vmem>>, %arg8: memref<128x128xf32, #tpu.memory_space<vmem>>, %arg9: memref<1x128xf32, #tpu.memory_space<vmem>>, %arg10: memref<128x128xf32, #tpu.memory_space<vmem>>, %arg11: memref<1x128xf32, #tpu.memory_space<vmem>>, %arg12: memref<128x128xf32, #tpu.memory_space<vmem>>, %arg13: memref<1x128xf32, #tpu.memory_space<vmem>>, %arg14: memref<1x200x128xf32, #tpu.memory_space<vmem>>) attributes {dimension_semantics = [#tpu.dimension_semantics<arbitrary>, #tpu.dimension_semantics<arbitrary>], iteration_bounds = array<i64: 10, 5>, scalar_prefetch = 0 : i64, scratch_operands = 0 : i64, tpu.core_type = #tpu.core_type<tc>, window_params = [{transform_indices = @transform_0, window_bounds = array<i64: 6400, 128>}, {transform_indices = @transform_1, window_bounds = array<i64: 1, 200, 32, 25>}, {transform_indices = @transform_2, window_bounds = array<i64: 1, 200, 32>}, {transform_indices = @transform_3, window_bounds = array<i64: 1, 200, 32>}, {pipeline_mode = #tpu.pipeline_mode<synchronous>, transform_indices = @transform_4, window_bounds = array<i64: 25, 128>}, {pipeline_mode = #tpu.pipeline_mode<synchronous>, transform_indices = @transform_5, window_bounds = array<i64: 1, 128>}, {pipeline_mode = #tpu.pipeline_mode<synchronous>, transform_indices = @transform_6, window_bounds = array<i64: 128, 128>}, {pipeline_mode = #tpu.pipeline_mode<synchronous>, transform_indices = @transform_7, window_bounds = array<i64: 1, 128>}, {pipeline_mode = #tpu.pipeline_mode<synchronous>, transform_indices = @transform_8, window_bounds = array<i64: 128, 128>}, {pipeline_mode = #tpu.pipeline_mode<synchronous>, transform_indices = @transform_9, window_bounds = array<i64: 1, 128>}, {pipeline_mode = #tpu.pipeline_mode<synchronous>, transform_indices = @transform_10, window_bounds = array<i64: 128, 128>}, {pipeline_mode = #tpu.pipeline_mode<synchronous>, transform_indices = @transform_11, window_bounds = array<i64: 1, 128>}, {transform_indices = @transform_12, window_bounds = array<i64: 1, 200, 128>}]} {
    %get3A = arith.constant 0 : index
    %get3A_0 = arith.constant 0 : index
    %get3A_1 = arith.constant 0 : index
    %get3A_2 = arith.constant 0 : index
    %get3A_3 = vector.load %arg3[%get3A, %get3A_0, %get3A_1, %get3A_2] : memref<1x200x32x25xf32, #tpu.memory_space<vmem>>, vector<1x200x32x25xf32>
    %reshape3A = vector.shape_cast %get3A_3 : vector<1x200x32x25xf32> to vector<6400x25xf32>
    %get3A_4 = arith.constant 0 : index
    %get3A_5 = arith.constant 0 : index
    %get3A_6 = vector.load %arg6[%get3A_4, %get3A_5] : memref<25x128xf32, #tpu.memory_space<vmem>>, vector<25x128xf32>
    %dot_general3A = arith.constant dense<0.000000e+00> : vector<6400x128xf32>
    %dot_general3A_7 = tpu.matmul %reshape3A, %get3A_6, %dot_general3A {dimension_numbers = #tpu.dot_dimension_numbers<[1], [0], [0], [1], [0, 0, 1, 1], [], []>, transpose_lhs_hint = false} : vector<6400x25xf32>, vector<25x128xf32>, vector<6400x128xf32> -> vector<6400x128xf32>
    %get3A_8 = arith.constant 0 : index
    %get3A_9 = arith.constant 0 : index
    %get3A_10 = vector.load %arg7[%get3A_8, %get3A_9] : memref<1x128xf32, #tpu.memory_space<vmem>>, vector<1x128xf32>
    %add3A = vector.broadcast %get3A_10 : vector<1x128xf32> to vector<6400x128xf32>
    %add3A_11 = arith.addf %dot_general3A_7, %add3A : vector<6400x128xf32>
    %abs3A = math.absf %add3A_11 : vector<6400x128xf32>
    %mul3A = arith.constant -1.44269502 : f32
    %mul3A_12 = vector.broadcast %mul3A : f32 to vector<6400x128xf32>
    %mul3A_13 = arith.mulf %abs3A, %mul3A_12 : vector<6400x128xf32>
    %exp23A = math.exp2 %mul3A_13 : vector<6400x128xf32>
    %max3A = arith.constant 0.000000e+00 : f32
    %max3A_14 = vector.broadcast %max3A : f32 to vector<6400x128xf32>
    %max3A_15 = arith.maximumf %add3A_11, %max3A_14 : vector<6400x128xf32>
    %add3A_16 = arith.constant 1.000000e+00 : f32
    %add3A_17 = vector.broadcast %add3A_16 : f32 to vector<6400x128xf32>
    %add3A_18 = arith.addf %add3A_17, %exp23A : vector<6400x128xf32>
    %log3A = math.log %add3A_18 : vector<6400x128xf32>
    %log3A_19 = arith.constant 2.000000e+00 : f32
    %log3A_20 = math.log %log3A_19 : f32
    %div3A = vector.broadcast %log3A_20 : f32 to vector<6400x128xf32>
    %div3A_21 = arith.divf %log3A, %div3A : vector<6400x128xf32>
    %mul3A_22 = arith.constant 0.693147182 : f32
    %mul3A_23 = vector.broadcast %mul3A_22 : f32 to vector<6400x128xf32>
    %mul3A_24 = arith.mulf %div3A_21, %mul3A_23 : vector<6400x128xf32>
    %add3A_25 = arith.addf %max3A_15, %mul3A_24 : vector<6400x128xf32>
    %sub3A = arith.constant 0.693147182 : f32
    %sub3A_26 = vector.broadcast %sub3A : f32 to vector<6400x128xf32>
    %sub3A_27 = arith.subf %add3A_25, %sub3A_26 : vector<6400x128xf32>
    %get3A_28 = arith.constant 0 : index
    %get3A_29 = arith.constant 0 : index
    %get3A_30 = vector.load %arg8[%get3A_28, %get3A_29] : memref<128x128xf32, #tpu.memory_space<vmem>>, vector<128x128xf32>
    %dot_general3A_31 = arith.constant dense<0.000000e+00> : vector<6400x128xf32>
    %dot_general3A_32 = tpu.matmul %sub3A_27, %get3A_30, %dot_general3A_31 {dimension_numbers = #tpu.dot_dimension_numbers<[1], [0], [0], [1], [0, 0, 1, 1], [], []>, transpose_lhs_hint = false} : vector<6400x128xf32>, vector<128x128xf32>, vector<6400x128xf32> -> vector<6400x128xf32>
    %get3A_33 = arith.constant 0 : index
    %get3A_34 = arith.constant 0 : index
    %get3A_35 = vector.load %arg9[%get3A_33, %get3A_34] : memref<1x128xf32, #tpu.memory_space<vmem>>, vector<1x128xf32>
    %add3A_36 = vector.broadcast %get3A_35 : vector<1x128xf32> to vector<6400x128xf32>
    %add3A_37 = arith.addf %dot_general3A_32, %add3A_36 : vector<6400x128xf32>
    %get3A_38 = arith.constant 0 : index
    %get3A_39 = arith.constant 0 : index
    %get3A_40 = arith.constant 0 : index
    %get3A_41 = vector.load %arg4[%get3A_38, %get3A_39, %get3A_40] : memref<1x200x32xf32, #tpu.memory_space<vmem>>, vector<1x200x32xf32>
    %get3A_42 = vector.shape_cast %get3A_41 : vector<1x200x32xf32> to vector<200x32xf32>
    %mul3A_43 = arith.constant 0.628318548 : f32
    %mul3A_44 = vector.broadcast %mul3A_43 : f32 to vector<200x32xf32>
    %mul3A_45 = arith.mulf %get3A_42, %mul3A_44 : vector<200x32xf32>
    %cos3A = math.cos %mul3A_45 : vector<200x32xf32>
    %add3A_46 = arith.constant 1.000000e+00 : f32
    %add3A_47 = vector.broadcast %add3A_46 : f32 to vector<200x32xf32>
    %add3A_48 = arith.addf %cos3A, %add3A_47 : vector<200x32xf32>
    %mul3A_49 = arith.constant 5.000000e-01 : f32
    %mul3A_50 = vector.broadcast %mul3A_49 : f32 to vector<200x32xf32>
    %mul3A_51 = arith.mulf %mul3A_50, %add3A_48 : vector<200x32xf32>
    %lt3A = arith.constant 5.000000e+00 : f32
    %lt3A_52 = vector.broadcast %lt3A : f32 to vector<200x32xf32>
    %lt3A_53 = arith.cmpf olt, %get3A_42, %lt3A_52 : vector<200x32xf32>
    %convert_element_type3A = arith.extui %lt3A_53 : vector<200x32xi1> to vector<200x32xi32>
    %convert_element_type3A_54 = arith.sitofp %convert_element_type3A : vector<200x32xi32> to vector<200x32xf32>
    %mul3A_55 = arith.mulf %mul3A_51, %convert_element_type3A_54 : vector<200x32xf32>
    %get3A_56 = arith.constant 0 : index
    %get3A_57 = arith.constant 0 : index
    %get3A_58 = arith.constant 0 : index
    %get3A_59 = vector.load %arg5[%get3A_56, %get3A_57, %get3A_58] : memref<1x200x32xf32, #tpu.memory_space<vmem>>, vector<1x200x32xf32>
    %get3A_60 = vector.shape_cast %get3A_59 : vector<1x200x32xf32> to vector<200x32xf32>
    %mul3A_61 = arith.mulf %mul3A_55, %get3A_60 : vector<200x32xf32>
    %reshape3A_62 = vector.shape_cast %add3A_37 : vector<6400x128xf32> to vector<200x32x128xf32>
    %broadcast_in_dim3A = vector.shape_cast %mul3A_61 : vector<200x32xf32> to vector<200x32x1xf32>
    %mul3A_63 = vector.broadcast %broadcast_in_dim3A : vector<200x32x1xf32> to vector<200x32x128xf32>
    %mul3A_64 = arith.mulf %reshape3A_62, %mul3A_63 : vector<200x32x128xf32>
    %get3A_65 = arith.constant 0 : index
    %get3A_66 = arith.constant 0 : index
    %get3A_67 = vector.load %arg2[%get3A_65, %get3A_66] : memref<6400x128xf32, #tpu.memory_space<vmem>>, vector<6400x128xf32>
    %reshape3A_68 = vector.shape_cast %get3A_67 : vector<6400x128xf32> to vector<200x32x128xf32>
    %mul3A_69 = arith.mulf %mul3A_64, %reshape3A_68 : vector<200x32x128xf32>
    %reduce_sum3A = arith.constant dense<0.000000e+00> : vector<200x128xf32>
    %reduce_sum3A_70 = vector.multi_reduction <add>, %mul3A_69, %reduce_sum3A [1] : vector<200x32x128xf32> to vector<200x128xf32>
    %get3A_71 = arith.constant 0 : index
    %get3A_72 = arith.constant 0 : index
    %get3A_73 = vector.load %arg10[%get3A_71, %get3A_72] : memref<128x128xf32, #tpu.memory_space<vmem>>, vector<128x128xf32>
    %dot_general3A_74 = arith.constant dense<0.000000e+00> : vector<200x128xf32>
    %dot_general3A_75 = tpu.matmul %reduce_sum3A_70, %get3A_73, %dot_general3A_74 {dimension_numbers = #tpu.dot_dimension_numbers<[1], [0], [0], [1], [0, 0, 1, 1], [], []>, transpose_lhs_hint = false} : vector<200x128xf32>, vector<128x128xf32>, vector<200x128xf32> -> vector<200x128xf32>
    %get3A_76 = arith.constant 0 : index
    %get3A_77 = arith.constant 0 : index
    %get3A_78 = vector.load %arg11[%get3A_76, %get3A_77] : memref<1x128xf32, #tpu.memory_space<vmem>>, vector<1x128xf32>
    %add3A_79 = vector.broadcast %get3A_78 : vector<1x128xf32> to vector<200x128xf32>
    %add3A_80 = arith.addf %dot_general3A_75, %add3A_79 : vector<200x128xf32>
    %abs3A_81 = math.absf %add3A_80 : vector<200x128xf32>
    %mul3A_82 = arith.constant -1.44269502 : f32
    %mul3A_83 = vector.broadcast %mul3A_82 : f32 to vector<200x128xf32>
    %mul3A_84 = arith.mulf %abs3A_81, %mul3A_83 : vector<200x128xf32>
    %exp23A_85 = math.exp2 %mul3A_84 : vector<200x128xf32>
    %max3A_86 = arith.constant 0.000000e+00 : f32
    %max3A_87 = vector.broadcast %max3A_86 : f32 to vector<200x128xf32>
    %max3A_88 = arith.maximumf %add3A_80, %max3A_87 : vector<200x128xf32>
    %add3A_89 = arith.constant 1.000000e+00 : f32
    %add3A_90 = vector.broadcast %add3A_89 : f32 to vector<200x128xf32>
    %add3A_91 = arith.addf %add3A_90, %exp23A_85 : vector<200x128xf32>
    %log3A_92 = math.log %add3A_91 : vector<200x128xf32>
    %log3A_93 = arith.constant 2.000000e+00 : f32
    %log3A_94 = math.log %log3A_93 : f32
    %div3A_95 = vector.broadcast %log3A_94 : f32 to vector<200x128xf32>
    %div3A_96 = arith.divf %log3A_92, %div3A_95 : vector<200x128xf32>
    %mul3A_97 = arith.constant 0.693147182 : f32
    %mul3A_98 = vector.broadcast %mul3A_97 : f32 to vector<200x128xf32>
    %mul3A_99 = arith.mulf %div3A_96, %mul3A_98 : vector<200x128xf32>
    %add3A_100 = arith.addf %max3A_88, %mul3A_99 : vector<200x128xf32>
    %sub3A_101 = arith.constant 0.693147182 : f32
    %sub3A_102 = vector.broadcast %sub3A_101 : f32 to vector<200x128xf32>
    %sub3A_103 = arith.subf %add3A_100, %sub3A_102 : vector<200x128xf32>
    %get3A_104 = arith.constant 0 : index
    %get3A_105 = arith.constant 0 : index
    %get3A_106 = vector.load %arg12[%get3A_104, %get3A_105] : memref<128x128xf32, #tpu.memory_space<vmem>>, vector<128x128xf32>
    %dot_general3A_107 = arith.constant dense<0.000000e+00> : vector<200x128xf32>
    %dot_general3A_108 = tpu.matmul %sub3A_103, %get3A_106, %dot_general3A_107 {dimension_numbers = #tpu.dot_dimension_numbers<[1], [0], [0], [1], [0, 0, 1, 1], [], []>, transpose_lhs_hint = false} : vector<200x128xf32>, vector<128x128xf32>, vector<200x128xf32> -> vector<200x128xf32>
    %get3A_109 = arith.constant 0 : index
    %get3A_110 = arith.constant 0 : index
    %get3A_111 = vector.load %arg13[%get3A_109, %get3A_110] : memref<1x128xf32, #tpu.memory_space<vmem>>, vector<1x128xf32>
    %add3A_112 = vector.broadcast %get3A_111 : vector<1x128xf32> to vector<200x128xf32>
    %add3A_113 = arith.addf %dot_general3A_108, %add3A_112 : vector<200x128xf32>
    %swap3A = arith.constant 0 : index
    %swap3A_114 = arith.constant 0 : index
    %swap3A_115 = arith.constant 0 : index
    %swap3A_116 = vector.load %arg14[%swap3A, %swap3A_114, %swap3A_115] : memref<1x200x128xf32, #tpu.memory_space<vmem>>, vector<1x200x128xf32>
    %swap3A_117 = vector.shape_cast %swap3A_116 : vector<1x200x128xf32> to vector<200x128xf32>
    %swap3A_118 = vector.shape_cast %add3A_113 : vector<200x128xf32> to vector<1x200x128xf32>
    tpu.vector_store %arg14[%swap3A, %swap3A_114, %swap3A_115], %swap3A_118 {strides = array<i32>} : memref<1x200x128xf32, #tpu.memory_space<vmem>>, vector<1x200x128xf32>,
    return
  }
  func.func @transform_0(%arg0: i32, %arg1: i32) -> (i32, i32) {
    %mul3A = arith.constant 5 : i32
    %mul3A_0 = arith.muli %arg0, %mul3A : i32
    %add3A = arith.addi %mul3A_0, %arg1 : i32
    %c0_i32 = arith.constant 0 : i32
    %c0_i32_1 = arith.constant 0 : i32
    return %add3A, %c0_i32 : i32, i32
  }
  func.func @transform_1(%arg0: i32, %arg1: i32) -> (i32, i32, i32, i32) {
    %add3A = arith.constant 0 : i32
    %add3A_0 = arith.addi %arg0, %add3A : i32
    %c0_i32 = arith.constant 0 : i32
    %c0_i32_1 = arith.constant 0 : i32
    %c0_i32_2 = arith.constant 0 : i32
    return %add3A_0, %arg1, %c0_i32, %c0_i32_1 : i32, i32, i32, i32
  }
  func.func @transform_2(%arg0: i32, %arg1: i32) -> (i32, i32, i32) {
    %add3A = arith.constant 0 : i32
    %add3A_0 = arith.addi %arg0, %add3A : i32
    %c0_i32 = arith.constant 0 : i32
    %c0_i32_1 = arith.constant 0 : i32
    return %add3A_0, %arg1, %c0_i32 : i32, i32, i32
  }
  func.func @transform_3(%arg0: i32, %arg1: i32) -> (i32, i32, i32) {
    %add3A = arith.constant 0 : i32
    %add3A_0 = arith.addi %arg0, %add3A : i32
    %c0_i32 = arith.constant 0 : i32
    %c0_i32_1 = arith.constant 0 : i32
    return %add3A_0, %arg1, %c0_i32 : i32, i32, i32
  }
  func.func @transform_4(%arg0: i32, %arg1: i32) -> (i32, i32) {
    %c0_i32 = arith.constant 0 : i32
    %c0_i32_0 = arith.constant 0 : i32
    %c0_i32_1 = arith.constant 0 : i32
    return %c0_i32, %c0_i32_0 : i32, i32
  }
  func.func @transform_5(%arg0: i32, %arg1: i32) -> (i32, i32) {
    %c0_i32 = arith.constant 0 : i32
    %c0_i32_0 = arith.constant 0 : i32
    %c0_i32_1 = arith.constant 0 : i32
    return %c0_i32, %c0_i32_0 : i32, i32
  }
  func.func @transform_6(%arg0: i32, %arg1: i32) -> (i32, i32) {
    %c0_i32 = arith.constant 0 : i32
    %c0_i32_0 = arith.constant 0 : i32
    %c0_i32_1 = arith.constant 0 : i32
    return %c0_i32, %c0_i32_0 : i32, i32
  }
  func.func @transform_7(%arg0: i32, %arg1: i32) -> (i32, i32) {
    %c0_i32 = arith.constant 0 : i32
    %c0_i32_0 = arith.constant 0 : i32
    %c0_i32_1 = arith.constant 0 : i32
    return %c0_i32, %c0_i32_0 : i32, i32
  }
  func.func @transform_8(%arg0: i32, %arg1: i32) -> (i32, i32) {
    %c0_i32 = arith.constant 0 : i32
    %c0_i32_0 = arith.constant 0 : i32
    %c0_i32_1 = arith.constant 0 : i32
    return %c0_i32, %c0_i32_0 : i32, i32
  }
  func.func @transform_9(%arg0: i32, %arg1: i32) -> (i32, i32) {
    %c0_i32 = arith.constant 0 : i32
    %c0_i32_0 = arith.constant 0 : i32
    %c0_i32_1 = arith.constant 0 : i32
    return %c0_i32, %c0_i32_0 : i32, i32
  }
  func.func @transform_10(%arg0: i32, %arg1: i32) -> (i32, i32) {
    %c0_i32 = arith.constant 0 : i32
    %c0_i32_0 = arith.constant 0 : i32
    %c0_i32_1 = arith.constant 0 : i32
    return %c0_i32, %c0_i32_0 : i32, i32
  }
  func.func @transform_11(%arg0: i32, %arg1: i32) -> (i32, i32) {
    %c0_i32 = arith.constant 0 : i32
    %c0_i32_0 = arith.constant 0 : i32
    %c0_i32_1 = arith.constant 0 : i32
    return %c0_i32, %c0_i32_0 : i32, i32
  }
  func.func @transform_12(%arg0: i32, %arg1: i32) -> (i32, i32, i32) {
    %c0_i32 = arith.constant 0 : i32
    %c0_i32_0 = arith.constant 0 : i32
    return %arg0, %arg1, %c0_i32 : i32, i32, i32
  }
}

</mosaic_0001>

<sc_bundles>
// kernel: kernel.5.cloned.1.call-start
scs
__scs_entry_jumppad:
0x0: {  	(pc) =	sbr.rel $0x88, $3  }
0x1: {  	(tag) =	ssettag $0x0;
	lr =	simm.s32 $0x1  }
0x2: {  	[smem:$0x3F93] =	sst lr;
	_ =	strace $0xD0000000  }
0x3: {  	_ = 	snop  }
0x4: {  	_ = 	snop  }
0x5: {  	_ = 	snop  }
0x6: {  	_ = 	snop  }
0x7: {  	_ = 	snop  }
__scs_overlays_trampoline_lowered:
0x8: {  	[smem:$0x3FA2] =	sst s0  }
0x9: {  	[smem:$0x3FA3] =	sst s1  }
0xa: {  	[smem:$0x3FA4] =	sst s2  }
0xb: {  	[smem:$0x3FA5] =	sst s3  }
0xc: {  	[smem:$0x3FA6] =	sst s4  }
0xd: {  	[smem:$0x3FA7] =	sst s5  }
0xe: {  	[smem:$0x3FA8] =	sst s6  }
0xf: {  	[smem:$0x3FA9] =	sst s7  }
0x10: {  	[smem:$0x3FAA] =	sst s8  }
0x11: {  	[smem:$0x3FAB] =	sst s9;
	s0 =	simm.s32 @!p0 $0x0  }
0x12: {  	s1 =	sld [smem:$0x3F91];
	s0 =	simm.s32 @p0 $0x1  }
0x13: {  	[smem:$0x3FAC] =	sst s0;
	s0 =	simm.s32 @!p1 $0x0  }
0x14: {  	s2 =	sld [smem:$0x3F90];
	s0 =	simm.s32 @p1 $0x1  }
0x15: {  	[smem:$0x3FAD] =	sst s0;
	s0 =	simm.s32 @!p2 $0x0  }
0x16: {  	s3 =	sld [smem:$0x3FDB];
	s0 =	simm.s32 @p2 $0x1  }
0x17: {  	s4 =	simm.s32 $0x1BF5;
	[smem:$0x3FAF] =	sst s0  }
0x18: {  	s0 =	sld [smem:$0x3F92];
	_ =	swait.ge [sflag:s4], $0x0  }
0x19: {  	s7 =	sld [smem:$0x3F93]  }
0x1a: {  	s8 =	sadd.s32 $0xFFFFE003, lr  }
0x1b: {  	s9 =	sadd.s32 $0xFFFFFEF7, lr;
	s5 =	simm.s32 $0xFFFFFFFF;
	p2 =	slt.u32 s8, $0xFFFFF086  }
0x1c: {  	p1 =	slt.u32 s9, $0xF7A;
	s5 =	simm.s32 @!p2 $0x0  }
0x1d: {  	s5 =	simm.s32 @p1 $0x1;
	p0 =	seq.s32 s7, s2  }
0x1e: {  	s7 =	smul.u32 @!p0 $0xF7A, s2;
	p2 =	seq.s32 @!p0 s5, $0x0  }
0x1f: {  	s9 =	smul.u32 $0xF7A, s1;
	s8 =	simm.s32 @!p0 $0x1BF5;
	p2 =	por !p2, p0  }
0x20: {  	[sflag:s8] =	ssyncset.s32 @!p0 $0xFFFFF086;
	s6 =	sadd.s32 @!p0 s3, s7;
	s7 =	simm.s32 @!p0 $0x108  }
0x21: {  	s3 =	sadd.s32 s3, s9;
	s6 =	sadd.s32 @!p0 $0x88, s6;
	s7 =	simm.s32 @p2 $0x1082  }
0x22: {  	[simem:s7], [sflag:s8] =	dma.local @!p0 [hbm:s6], $0xF7A  }
0x23: {  	s9 =	sor.u32 $0xD0000000, s2;
	s6 =	simm.s32 $0x108;
	_ =	swait.ge @!p0 [sflag:s8], $0x0  }
0x24: {  	s3 =	sadd.s32 $0x88, s3;
	s6 =	simm.s32 @!p1 $0x1082;
	[sflag:s4] =	ssyncset.s32 $0xFFFFF086  }
0x25: {  	[simem:s6], [sflag:s4] =	dma.local [hbm:s3], $0xF7A  }
0x26: {  	[smem:$0x3F93] =	sst s1;
	(tag) =	ssettag s2;
	_ =	strace s9  }
0x27: {  	s1 =	sld [smem:$0x3FA3]  }
0x28: {  	s2 =	sld [smem:$0x3FA4]  }
0x29: {  	s4 =	sld [smem:$0x3FA6]  }
0x2a: {  	p0 =	seq.s32 s5, $0x0;
	s5 =	sld [smem:$0x3FA7]  }
0x2b: {  	s6 =	sld [smem:$0x3FA8]  }
0x2c: {  	s7 =	sld [smem:$0x3FA9]  }
0x2d: {  	s3 =	simm.s32 $0x108;
	s8 =	sld [smem:$0x3FAA]  }
0x2e: {  	s3 =	simm.s32 @!p0 $0x1082;
	s9 =	sld [smem:$0x3FAB]  }
0x2f: {  	lr =	sadd.s32 s0, s3;
	s0 =	sld [smem:$0x3FA2]  }
0x30: {  	s3 =	sld [smem:$0x3FA5]  }
0x31: {  	[smem:$0x3FAE] =	sst s10  }
0x32: {  	s10 =	sld [smem:$0x3FAC];
	_ =	sdelay $0x3  }
0x33: {  	p0 =	seq.s32 s10, $0x1;
	s10 =	sld [smem:$0x3FAE];
	_ =	sdelay $0x3  }
0x34: {  	[smem:$0x3FAE] =	sst s10  }
0x35: {  	s10 =	sld [smem:$0x3FAD];
	_ =	sdelay $0x3  }
0x36: {  	p1 =	seq.s32 s10, $0x1;
	s10 =	sld [smem:$0x3FAE];
	_ =	sdelay $0x3  }
0x37: {  	[smem:$0x3FAE] =	sst s10  }
0x38: {  	s10 =	sld [smem:$0x3FAF]  }
0x39: {  	_ = 	snop;
	(pc) =	sbr.ind lr, $3  }
0x3a: {  	_ = 	snop  }
0x3b: {  	_ = 	snop  }
0x3c: {  	p2 =	seq.s32 s10, $0x1;
	s10 =	sld [smem:$0x3FAE]  }
0x3d: {  	_ =	shalt  }
0x3e: {  	_ =	shalt  }
0x3f: {  	_ =	shalt  }
0x40: {  	_ =	shalt  }
0x41: {  	_ =	shalt  }
0x42: {  	_ =	shalt  }
0x43: {  	_ =	shalt  }
0x44: {  	_ =	shalt  }
0x45: {  	_ =	shalt  }
0x46: {  	_ =	shalt  }
0x47: {  	_ =	shalt  }
0x48: {  	_ =	shalt  }
0x49: {  	_ =	shalt  }
0x4a: {  	_ =	shalt  }
0x4b: {  	_ =	shalt  }
0x4c: {  	_ =	shalt  }
0x4d: {  	_ =	shalt  }
0x4e: {  	_ =	shalt  }
0x4f: {  	_ =	shalt  }
0x50: {  	_ =	shalt  }
0x51: {  	_ =	shalt  }
0x52: {  	_ =	shalt  }
0x53: {  	_ =	shalt  }
0x54: {  	_ =	shalt  }
0x55: {  	_ =	shalt  }
0x56: {  	_ =	shalt  }
0x57: {  	_ =	shalt  }
0x58: {  	_ =	shalt  }
0x59: {  	_ =	shalt  }
0x5a: {  	_ =	shalt  }
0x5b: {  	_ =	shalt  }
0x5c: {  	_ =	shalt  }
0x5d: {  	_ =	shalt  }
0x5e: {  	_ =	shalt  }
0x5f: {  	_ =	shalt  }
0x60: {  	_ =	shalt  }
0x61: {  	_ =	shalt  }
0x62: {  	_ =	shalt  }
0x63: {  	_ =	shalt  }
0x64: {  	_ =	shalt  }
0x65: {  	_ =	shalt  }
0x66: {  	_ =	shalt  }
0x67: {  	_ =	shalt  }
0x68: {  	_ =	shalt  }
0x69: {  	_ =	shalt  }
0x6a: {  	_ =	shalt  }
0x6b: {  	_ =	shalt  }
0x6c: {  	_ =	shalt  }
0x6d: {  	_ =	shalt  }
0x6e: {  	_ =	shalt  }
0x6f: {  	_ =	shalt  }
0x70: {  	_ =	shalt  }
0x71: {  	_ =	shalt  }
0x72: {  	_ =	shalt  }
0x73: {  	_ =	shalt  }
0x74: {  	_ =	shalt  }
0x75: {  	_ =	shalt  }
0x76: {  	_ =	shalt  }
0x77: {  	_ =	shalt  }
0x78: {  	_ =	shalt  }
0x79: {  	_ =	shalt  }
0x7a: {  	_ =	shalt  }
0x7b: {  	_ =	shalt  }
0x7c: {  	_ =	shalt  }
0x7d: {  	_ =	shalt  }
0x7e: {  	_ =	shalt  }
0x7f: {  	_ =	shalt  }
0x80: {  	_ =	shalt  }
0x81: {  	_ =	shalt  }
0x82: {  	_ =	shalt  }
0x83: {  	_ =	shalt  }
0x84: {  	_ =	shalt  }
0x85: {  	_ =	shalt  }
0x86: {  	_ =	shalt  }
0x87: {  	_ =	shalt  }
.Lfunc_end0:
.L_simem_size_0:
called_computation_lowered:
.L_overlay_start_0:
0x88: {  	s2 =	sld [smem:$0x3FD9]  }
0x89: {  	s3 =	sld [smem:$0x3FFE];
	_ =	sdelay $0x1  }
0x8a: {  	s1 =	srdreg.scid  }
0x8b: {  	s0 =	sand.u32 $0x1, s1  }
0x8c: {  	s17 =	sshll.u32 s0, $0xA;
	s2 =	sadd.s32 s3, s2  }
0x8d: {  	s2 =	sadd.s32 s2, s17  }
0x8e: {  	[smem:$0x3FBA] =	sst s2  }
0x8f: {  	_ = 	snop  }
0x90: {  	s2 =	sld [smem:$0x3FD0];
	(tm) =	ssettm $0x1  }
0x91: {  	s18 =	sld [smem:$0x3FFB];
	_ =	sdelay $0x3  }
0x92: {  	_ =	strace s18  }
0x93: {  	s3 =	sld [smem:$0x3FFC];
	_ =	sdelay $0x3  }
0x94: {  	_ =	strace s3  }
0x95: {  	s3 =	sld [smem:$0x3FFD];
	_ =	sdelay $0x3  }
0x96: {  	_ =	strace s3  }
0x97: {  	_ =	strace $0x8FFFFFFF  }
0x98: {  	s19 =	sld [smem:$0x3FDB];
	_ =	sdelay $0x1  }
0x99: {  	s4 =	simm.s32 $_scs_section_size  }
0x9a: {  	s5 =	simm.s32 $_size__tile_overlayer_lowered;
	s6 =	simm.s32 $_tile_overlayer_lowered  }
0x9b: {  	s22 =	simm.s32 $0x1BFF;
	s21 =	sshll.u32 s6, $0x1;
	s3 =	sadd.s32 s4, s19  }
0x9c: {  	s7 =	simm.s32 $0x0;
	s20 =	sshll.u32 s5, $0x1;
	s5 =	sadd.s32 s21, s3  }
0x9d: {  	[timem:s7], [sflag:s22] =	dma.local [hbm:s5], s20  }
0x9e: {  	_ =	swait.ge [sflag:s22], s20  }
0x9f: {  	s4 =	ssub.s32 $0x0, s20;
	[sflag:s22] =	ssyncset.done $0x0  }
0xa0: {  	[sflag:s22] =	ssyncadd.s32 s4;
	_ =	sdelay $0x1  }
0xa1: {  	s23 =	simm.s32 $0x1B8B  }
0xa2: {  	_ =	swait.ge [sflag:s23], $0x1  }
0xa3: {  	[sflag:s23] =	ssyncset.done $0x0  }
0xa4: {  	s25 =	simm.s32 $0x1B8E;
	s24 =	sld [smem:$0x3FFE];
	[sflag:s23] =	ssyncadd.s32 $0xFFFFFFFF  }
0xa5: {  	s26 =	simm.s32 $execute0_lowered;
	[smem:$0x3FD2] =	sst s25  }
0xa6: {  	s5 =	sshll.u32 s26, $0x1;
	_ =	strace $0x80000046;
	[dreg:$0x1] =	wrdreg $0xFFFFFFFF  }
0xa7: {  	s28 =	simm.s32 $_size_execute0_lowered;
	s3 =	sadd.s32 s3, s5;
	[dreg:$0x0] =	wrdreg $0x0  }
0xa8: {  	s5 =	sshll.u32 s28, $0x1;
	[dreg:$0x2] =	wrdreg s3  }
0xa9: {  	[dreg:$0x3] =	wrdreg s5  }
0xaa: {  	[dreg:$0x4] =	wrdreg $0xC0  }
0xab: {  	_ =	task [dreg:s7], $0x5FFFF  }
0xac: {  	[dreg:$0x1] =	wrdreg $0xFFFFFFFF  }
0xad: {  	[dreg:$0x0] =	wrdreg $0x60  }
0xae: {  	[dreg:$0x2] =	wrdreg s2  }
0xaf: {  	[dreg:$0x3] =	wrdreg s24  }
0xb0: {  	[dreg:$0x4] =	wrdreg $0x9  }
0xb1: {  	_ =	task.clear_ibuf [dreg:s7], $0x5FFFF;
	_ =	strace $0x90000046  }
0xb2: {  	s29 =	simm.s32 $0x9;
	_ =	strace $0x80000048  }
0xb3: {  	_ =	swait.ge [sflag:s29], $0x1  }
0xb4: {  	[sflag:s29] =	ssyncadd.s32 $0xFFFFFFFF  }
0xb5: {  	_ =	strace $0x90000048  }
0xb6: {  	_ =	sfence  }
0xb7: {  	s30 =	sld [smem:$0x0];
	_ =	sdelay $0x2  }
0xb8: {  	s31 =	sshll.u32 s1, $0xD;
	s1 =	sshrl.u32 s1, $0x2  }
0xb9: {  	s3 =	sand.u32 $0x4000, s31;
	s1 =	sadd.s32 s1, s30  }
0xba: {  	s0 =	sor.u32 s3, s0;
	s1 =	sshll.u32 s1, $0x11  }
0xbb: {  	s0 =	sor.u32 s1, s0  }
0xbc: {  	s0 =	sadd.s32 $0x8F2B, s0  }
0xbd: {  	[sflag:s0] =	ssyncadd.remote.s32 $0x1  }
0xbe: {  	_ =	sfence.sel $0xFFFF  }
0xbf: {  	[dreg:$0x0] =	wrdreg $0xFFFFFFFF;
	(pc) =	sbr.abs _section_cstart, $3  }
0xc0: {  	[dreg:$0x1] =	wrdreg $0xFFFFFFFF  }
0xc1: {  	_ =	task.clear_ibuf [dreg:s7], $0x2FFFF;
	_ =	strace $0x9FFFFFFF  }
0xc2: {  	(tm) =	ssettm $0x7FFFFFFF  }
0xc3: {  	_ =	shalt  }
tec
execute0_lowered:
.L_overlay_start_1:
0x0: {  	(tag) =	ssettag $0x1  }
0x1: {  	s2 =	rddreg [dreg:$0x0]  }
0x2: {  	s4 =	rddreg [dreg:$0x1]  }
0x3: {  	s0 =	rddreg [dreg:$0x2];
	s5 =	srdreg.scid  }
0x4: {  	s1 =	stileid.u32;
	s3 =	simm.s32 $0x0;
	s11 =	simm.s32 $0x1  }
0x5: {  	s12 =	simm.s32 $0x6800;
	s13 =	simm.s32 $0x4;
	s14 =	simm.s32 $0x2  }
0x6: {  	s15 =	simm.s32 $0x0;
	s5 =	sand.u32 $0x1, s5;
	s6 =	sshll.u32 s1, $0x1  }
0x7: {  	[smem:$0x7FF] =	sst s3;
	s10 =	sadd.s32 $0x12000, s4;
	s29 =	smul.u32 $0x4E200, s1  }
0x8: {  	s6 =	sor.u32 s5, s6;
	_ =	strace $0x80000047;
	s8 =	ssub.s32 $0x2, s5  }
0x9: {  	s30 =	smul.u32 $0x27100, s5;
	s7 =	sshll.u32 s6, $0xB;
	s9 =	sshrl.u32 s8, $0x1  }
0xa: {  	s6 =	smul.u32 $0x27100, s6;
	s31 =	sadd.s32 s29, s10;
	s7 =	sadd.s32 s7, s4  }
0xb: {  	s8 =	ssub.s32 s8, s9;
	s9 =	simm.s32 $0x50;
	s4 =	sadd.s32 $0x2000, s7  }
0xc: {  	s6 =	sadd.s32 s10, s6;
	s5 =	smax.u32 s8, $0x1;
	s7 =	sadd.s32 s30, s31  }
0xd: {  	s8 =	simm.s32 $0x3;
	s10 =	simm.s32 $0x4000;
	s6 =	sadd.s32 $0x26C00, s6  }
.LBB2_1:
0xe: {  	[tilespmem:s3], [sflag:$0x3] =	stream.linear.gather [hbm4b:s4+s3], $0x3E80, $0x38;
	[tilespmem:$0x9000] =	vst v63  }
0xf: {  	_ =	swait.ge [sflag:s8], $0x3E80  }
0x10: {  	[sflag:s8] =	ssyncset.done $0x0  }
0x11: {  	[sflag:s8] =	ssyncadd.s32 $0xFFFFC180  }
0x12: {  	[tilespmem:s10], [sflag:$0x1] =	stream.indirect.gather [hbm4b:s2+s9], $0x80, s3, s9, $0xb8;
	[tilespmem:$0x9000] =	vst v63  }
0x13: {  	_ =	swait.ge [sflag:s11], $0x2800  }
0x14: {  	[sflag:s11] =	ssyncset.done $0x0  }
0x15: {  	s16 =	simm.s32 $0x80;
	[sflag:s11] =	ssyncadd.s32 $0xFFFFD800  }
0x16: {  	[tilespmem:s12], [sflag:$0x2] =	stream.indirect.gather [hbm4b:s2+s9], $0x80, s16, s9, $0xb8;
	[tilespmem:$0x9000] =	vst v63  }
0x17: {  	s17 =	sadd.s32 $0x0, s7  }
0x18: {  	[hbm4b:s17+s3] =	stream.linear.scatter [tilespmem:s10], [sflag:$0x4], $0x2800, $0x38;
	[tilespmem:$0x9000] =	vst v63  }
0x19: {  	_ =	swait.ge [sflag:s13], $0x2800  }
0x1a: {  	[sflag:s13] =	ssyncset.done $0x0  }
0x1b: {  	[sflag:s13] =	ssyncadd.s32 $0xFFFFD800  }
0x1c: {  	_ =	swait.ge [sflag:s14], $0x2800  }
0x1d: {  	[sflag:s14] =	ssyncset.done $0x0  }
0x1e: {  	s18 =	simm.s32 $0x100;
	[sflag:s14] =	ssyncadd.s32 $0xFFFFD800  }
0x1f: {  	[tilespmem:s10], [sflag:$0x1] =	stream.indirect.gather [hbm4b:s2+s9], $0x80, s18, s9, $0xb8;
	[tilespmem:$0x9000] =	vst v63  }
0x20: {  	s17 =	sadd.s32 $0x500, s17  }
0x21: {  	[hbm4b:s17+s3] =	stream.linear.scatter [tilespmem:s12], [sflag:$0x3], $0x2800, $0x38;
	[tilespmem:$0x9000] =	vst v63  }
0x22: {  	_ =	swait.ge [sflag:s8], $0x2800  }
0x23: {  	s17 =	simm.s32 $0xA00;
	[sflag:s8] =	ssyncset.done $0x0  }
.LBB2_2:
0x24: {  	p0 =	sne.s32 s17, $0x26200;
	[sflag:s8] =	ssyncadd.s32 $0xFFFFD800;
	s16 =	sadd.s32 $0x100, s16  }
0x25: {  	s18 =	smov.u32 s17;
	s17 =	sadd.s32 $0xA00, s17  }
0x26: {  	_ =	swait.ge [sflag:s11], $0x2800  }
0x27: {  	[sflag:s11] =	ssyncset.done $0x0  }
0x28: {  	[sflag:s11] =	ssyncadd.s32 $0xFFFFD800  }
0x29: {  	[tilespmem:s12], [sflag:$0x2] =	stream.indirect.gather [hbm4b:s2+s9], $0x80, s16, s9, $0xb8;
	[tilespmem:$0x9000] =	vst v63  }
0x2a: {  	s18 =	sadd.s32 s18, s7  }
0x2b: {  	[hbm4b:s18+s3] =	stream.linear.scatter [tilespmem:s10], [sflag:$0x4], $0x2800, $0x38;
	[tilespmem:$0x9000] =	vst v63  }
0x2c: {  	_ =	swait.ge [sflag:s13], $0x2800  }
0x2d: {  	[sflag:s13] =	ssyncset.done $0x0  }
0x2e: {  	[sflag:s13] =	ssyncadd.s32 $0xFFFFD800  }
0x2f: {  	_ =	swait.ge [sflag:s14], $0x2800  }
0x30: {  	[sflag:s14] =	ssyncset.done $0x0  }
0x31: {  	s19 =	sadd.s32 $0x80, s16;
	[sflag:s14] =	ssyncadd.s32 $0xFFFFD800  }
0x32: {  	[tilespmem:s10], [sflag:$0x1] =	stream.indirect.gather [hbm4b:s2+s9], $0x80, s19, s9, $0xb8;
	[tilespmem:$0x9000] =	vst v63  }
.Ltmp0:
0x33: {  	_ = 	snop;
	(pc) =	sbr.rel @p0 .LBB2_2-.Ltmp0, $4  }
0x34: {  	s18 =	sadd.s32 $0x500, s18  }
0x35: {  	[hbm4b:s18+s3] =	stream.linear.scatter [tilespmem:s12], [sflag:$0x3], $0x2800, $0x38;
	[tilespmem:$0x9000] =	vst v63  }
0x36: {  	_ =	swait.ge [sflag:s8], $0x2800  }
0x37: {  	[sflag:s8] =	ssyncset.done $0x0  }
0x38: {  	[sflag:s8] =	ssyncadd.s32 $0xFFFFD800  }
0x39: {  	s15 =	sadd.s32 $0x1, s15;
	_ =	swait.ge [sflag:s11], $0x2800  }
0x3a: {  	p0 =	sne.s32 s15, s5;
	[sflag:s11] =	ssyncset.done $0x0  }
.Ltmp1:
0x3b: {  	[sflag:s11] =	ssyncadd.s32 $0xFFFFD800;
	(pc) =	sbr.rel @p0 .LBB2_1-.Ltmp1, $4  }
0x3c: {  	[hbm4b:s6+s3] =	stream.linear.scatter [tilespmem:s10], [sflag:$0x4], $0x2800, $0x38;
	[tilespmem:$0x9000] =	vst v63  }
0x3d: {  	_ =	swait.ge [sflag:s13], $0x2800  }
0x3e: {  	[sflag:s13] =	ssyncset.done $0x0  }
0x3f: {  	[sflag:s13] =	ssyncadd.s32 $0xFFFFD800  }
0x40: {  	_ =	sfence.sel $0x180000  }
0x41: {  	[bflag:$0x0] =	sbarrier.arrive $0xFFFF  }
0x42: {  	p0 =	sne.s32 s1, $0x0;
	_ =	strace $0x90000047  }
0x43: {  	s0 =	sadd.s32 @!p0 $0x100000, s0;
	[bflag:$0x2] =	sbarrier.arrive $0xFFFF  }
0x44: {  	[sflag:s0] =	ssyncadd.tile.s32 @!p0 $0x1;
	_ =	shalt  }
.Lfunc_end2:
_tile_overlayer_lowered:
.L_overlay_start_2:
0x45: {  	(tag) =	ssettag $0x2  }
0x46: {  	s0 =	rddreg [dreg:$0x0];
	s2 =	stileid.u32  }
0x47: {  	s1 =	rddreg [dreg:$0x1];
	p0 =	sne.s32 s2, $0x0  }
0x48: {  	s3 =	rddreg [dreg:$0x2];
	[bflag:$0x3] =	sbarrier.arrive $0xFFFF;
	s2 =	simm.s32 @!p0 $0x1C03  }
0x49: {  	[timem:s3], [sflag:s2] =	dma.local @!p0 [hbm:s0], s1  }
0x4a: {  	s0 =	simm.s32 @!p0 $0x3  }
0x4b: {  	_ =	swait.ge @!p0 [sflag:s0], s1  }
0x4c: {  	s1 =	ssub.s32 @!p0 $0x0, s1;
	[sflag:s0] =	ssyncset.done @!p0 $0x0  }
0x4d: {  	[sflag:s0] =	ssyncadd.s32 @!p0 s1  }
0x4e: {  	[bflag:$0x3] =	sbarrier.arrive $0xFFFF  }
0x4f: {  	_ =	shalt  }

</sc_bundles>
